<compile_context>
chip_gen: v7x
topology: tpu7x:2x2x1
jax: 0.10.2.dev20260603
libtpu: 0.0.44.dev20260713+nightly
codegen_flags: <defaults>
</compile_context>

<pallas_src>
import functools

import jax
import jax.numpy as jnp
from jax import lax
from jax.experimental import pallas as pl
from jax.experimental.pallas import tpu as pltpu
from jax.experimental.pallas import tpu_sc as plsc

NUM_CODES = 8192
DIM = 64
ROWS = 16384
R_BLK = 128
C_BLK = 1024
LANES = 128
SUB = 8
GRPS = C_BLK // LANES
R3 = R_BLK // SUB

SC_CORES = 2
SC_SUBCORES = 16
SC_WORKERS = SC_CORES * SC_SUBCORES
ROWS_PER_WORKER = ROWS // SC_WORKERS


def _argmin_body(x_ref, e_ref, et_ref, idx_ref, loss_ref, e2_ref, acc_ref):
    i = pl.program_id(0)

    @pl.when(i == 0)
    def _():
        acc_ref[0] = 0.0

        def pre(j, c):
            e = e_ref[pl.ds(j * C_BLK, C_BLK), :]
            e2 = jnp.sum(e * e, axis=1)
            e2_ref[:, pl.ds(j * C_BLK, C_BLK)] = jnp.broadcast_to(
                e2[None, :], (SUB, C_BLK))
            return c

        lax.fori_loop(0, NUM_CODES // C_BLK, pre, 0)

    x = x_ref[...]
    xm2 = -2.0 * x
    x2 = jnp.sum(x * x, axis=1, keepdims=True)
    x2b = jnp.broadcast_to(x2, (R_BLK, LANES)).reshape(R3, SUB, LANES)

    def chunk(j, carry):
        run_min, run_grp = carry
        et = et_ref[:, pl.ds(j * C_BLK, C_BLK)]
        m2 = lax.dot_general(
            xm2, et, (((1,), (0,)), ((), ())),
            preferred_element_type=jnp.float32)
        m3 = m2.reshape(R3, SUB, C_BLK)
        e2c = e2_ref[:, pl.ds(j * C_BLK, C_BLK)]
        for g in range(GRPS):
            e2g = e2c[None, :, g * LANES:(g + 1) * LANES]
            mg = m3[:, :, g * LANES:(g + 1) * LANES]
            dg = (x2b + mg) + e2g
            better = dg < run_min
            run_min = jnp.minimum(run_min, dg)
            run_grp = jnp.where(better, j * GRPS + g, run_grp)
        return run_min, run_grp

    init = (jnp.full((R3, SUB, LANES), jnp.inf, jnp.float32),
            jnp.zeros((R3, SUB, LANES), jnp.int32))
    run_min, run_grp = lax.fori_loop(0, NUM_CODES // C_BLK, chunk, init)

    rm = run_min.reshape(R_BLK, LANES)
    rg = run_grp.reshape(R_BLK, LANES)
    best = jnp.min(rm, axis=1, keepdims=True)
    code = (rg * LANES + lax.broadcasted_iota(
        jnp.int32, (R_BLK, LANES), 1)).astype(jnp.float32)
    idx_f = jnp.min(jnp.where(rm == best, code, jnp.float32(NUM_CODES)),
                    axis=1)
    idx_ref[...] = idx_f.astype(jnp.int32)
    acc_ref[0] += jnp.sum(best)

    @pl.when(i == pl.num_programs(0) - 1)
    def _():
        loss_ref[0, 0] = acc_ref[0]


def _argmin_call(flat, embedding, embedding_t):
    return pl.pallas_call(
        _argmin_body,
        grid=(ROWS // R_BLK,),
        in_specs=[
            pl.BlockSpec((R_BLK, DIM), lambda i: (i, 0)),
            pl.BlockSpec((NUM_CODES, DIM), lambda i: (0, 0)),
            pl.BlockSpec((DIM, NUM_CODES), lambda i: (0, 0)),
        ],
        out_specs=[
            pl.BlockSpec((R_BLK,), lambda i: (i,)),
            pl.BlockSpec(memory_space=pltpu.SMEM),
        ],
        out_shape=[
            jax.ShapeDtypeStruct((ROWS,), jnp.int32),
            jax.ShapeDtypeStruct((1, 1), jnp.float32),
        ],
        scratch_shapes=[pltpu.VMEM((SUB, NUM_CODES), jnp.float32),
                        pltpu.SMEM((1,), jnp.float32)],
    )(flat, embedding, embedding_t)


def _gather_call(embedding, idx_flat):
    mesh = plsc.VectorSubcoreMesh(core_axis_name="c", subcore_axis_name="s")

    @functools.partial(
        pl.kernel,
        mesh=mesh,
        compiler_params=pltpu.CompilerParams(use_tc_tiling_on_sc=False),
        out_type=jax.ShapeDtypeStruct((ROWS, DIM), jnp.float32),
        scratch_types=[
            pltpu.VMEM((ROWS_PER_WORKER,), jnp.int32),
            pltpu.VMEM((ROWS_PER_WORKER, DIM), jnp.float32),
            pltpu.SemaphoreType.DMA,
        ],
    )
    def gather(table_hbm, idx_hbm, out_hbm, idx_v, rows_v, sem):
        wid = lax.axis_index("s") * SC_CORES + lax.axis_index("c")
        base = wid * ROWS_PER_WORKER
        pltpu.sync_copy(idx_hbm.at[pl.ds(base, ROWS_PER_WORKER)], idx_v)
        pltpu.async_copy(table_hbm.at[idx_v], rows_v, sem).wait()
        pltpu.sync_copy(rows_v, out_hbm.at[pl.ds(base, ROWS_PER_WORKER)])

    return gather(embedding, idx_flat)


def kernel(z_e, embedding):
    B, D, H, W = z_e.shape
    flat = jnp.transpose(z_e, (0, 2, 3, 1)).reshape(-1, D)
    idx_flat, loss_acc = _argmin_call(flat, embedding, embedding.T)
    z_q_flat = _gather_call(embedding, idx_flat)
    z_q = jnp.transpose(z_q_flat.reshape(B, H, W, D), (0, 3, 1, 2))
    z_q_st = z_e + lax.stop_gradient(z_q - z_e)
    loss = loss_acc[0, 0] / (B * H * W * D)
    return (z_q_st, loss, idx_flat.reshape(B, H, W))

# --- scband reference (transcript-rebuilt; emitter-appended) ---
"""Pipeline reference for scband-vector-quantizer-ema-33457795236212 (READ-ONLY COPY).

The authoritative reference and input builder live on the scoring server;
editing this copy changes nothing except your own understanding.
"""

import jax, jax.numpy as jnp
import numpy as np

NUM_EMBEDDINGS = 8192
EMBED_DIM = 64


def setup_inputs(seed: int = 0) -> dict:
    key = jax.random.key(seed)
    k1, k2 = jax.random.split(key)
    z_e = jax.random.normal(k1, (16, EMBED_DIM, 32, 32), dtype=jnp.float32)
    embedding = jax.random.normal(k2, (NUM_EMBEDDINGS, EMBED_DIM), dtype=jnp.float32)
    return {"z_e": z_e, "embedding": embedding}


def reference(z_e, embedding):
    B, D, H, W = z_e.shape
    z_perm = jnp.transpose(z_e, (0, 2, 3, 1))
    flat = z_perm.reshape(-1, D)
    distances = (
        jnp.sum(flat ** 2, axis=1, keepdims=True)
        - 2.0 * (flat @ embedding.T)
        + jnp.sum(embedding ** 2, axis=1)
    )
    indices = jnp.argmin(distances, axis=1)
    z_q = jnp.take(embedding, indices, axis=0).reshape(z_perm.shape)
    z_q = jnp.transpose(z_q, (0, 3, 1, 2))
    z_q_st = z_e + jax.lax.stop_gradient(z_q - z_e)
    commitment_loss = jnp.mean((jax.lax.stop_gradient(z_q_st) - z_e) ** 2)
    return (z_q_st, commitment_loss, indices.reshape(B, H, W))

if __name__ == "__main__":
    import jax
    _d = setup_inputs()
    print(jax.jit(kernel)(*tuple(_d.values())))

</pallas_src>

<mosaic_0001>
#map = affine_map<(d0, d1) -> (0, 0)>
#map1 = affine_map<(d0, d1) -> (0)>
module attributes {stable_mosaic.version = 14 : i64} {
  func.func @gather(%arg0: i32, %arg1: i32, %arg2: memref<8192x64xf32, #tpu.memory_space<hbm>>, %arg3: memref<16384xi32, #tpu.memory_space<hbm>>, %arg4: memref<16384x64xf32, #tpu.memory_space<hbm>>, %arg5: memref<512xi32, #tpu.memory_space<vmem>>, %arg6: memref<512x64xf32, #tpu.memory_space<vmem>>, %arg7: memref<!tpu.dma_semaphore, #tpu.memory_space<semaphore_mem>>) attributes {dimension_semantics = [#tpu.dimension_semantics<core_parallel>, #tpu.dimension_semantics<subcore_parallel>], iteration_bounds = array<i64: 2, 16>, scalar_prefetch = 0 : i64, scratch_operands = 3 : i64, tpu.core_type = #tpu.core_type<sc_vector_subcore>, window_params = [{transform_indices = #map}, {transform_indices = #map1}, {transform_indices = #map}]} {
    %mul3A = arith.constant 2 : i32
    %mul3A_0 = arith.muli %arg1, %mul3A : i32
    %add3A = arith.addi %mul3A_0, %arg0 : i32
    %mul3A_1 = arith.constant 512 : i32
    %mul3A_2 = arith.muli %add3A, %mul3A_1 : i32
    "tpu.region"() ({
      %run_scoped3A = tpu.sem_alloc : memref<!tpu.dma_semaphore, #tpu.memory_space<semaphore_mem>>
      %dma_start3A_7 = tpu.memref_slice %arg3[%mul3A_2] : memref<16384xi32, #tpu.memory_space<hbm>> -> memref<512xi32, #tpu.memory_space<hbm>>
      %dma_start3A_8 = tpu.memref_slice %arg3[%mul3A_2] : memref<16384xi32, #tpu.memory_space<hbm>> -> memref<512xi32, #tpu.memory_space<hbm>>
      tpu.enqueue_dma source(%dma_start3A_8 : memref<512xi32, #tpu.memory_space<hbm>>) target(%arg5 : memref<512xi32, #tpu.memory_space<vmem>>) target_semaphore(%run_scoped3A : memref<!tpu.dma_semaphore, #tpu.memory_space<semaphore_mem>>)
      %dma_wait3A_9 = tpu.memref_slice %arg3[%mul3A_2] : memref<16384xi32, #tpu.memory_space<hbm>> -> memref<512xi32, #tpu.memory_space<hbm>>
      %dma_wait3A_10 = tpu.memref_slice %arg3[%mul3A_2] : memref<16384xi32, #tpu.memory_space<hbm>> -> memref<512xi32, #tpu.memory_space<hbm>>
      tpu.wait_dma2 semaphore(%run_scoped3A : memref<!tpu.dma_semaphore, #tpu.memory_space<semaphore_mem>>) src(%dma_wait3A_10 : memref<512xi32, #tpu.memory_space<hbm>>) dst(%arg5 : memref<512xi32, #tpu.memory_space<vmem>>)
      tpu.yield
    }) : () -> ()
    %dma_start3A = arith.constant 0 : i32
    %dma_start3A_3 = arith.constant 0 : i32
    %dma_start3A_4 = tpu.memref_slice %arg2[%dma_start3A, %dma_start3A_3] : memref<8192x64xf32, #tpu.memory_space<hbm>> -> memref<8192x64xf32, #tpu.memory_space<hbm>>
    tpu.enqueue_indirect_dma source(%dma_start3A_4 : memref<8192x64xf32, #tpu.memory_space<hbm>>) target(%arg6 : memref<512x64xf32, #tpu.memory_space<vmem>>) offsets(%arg5 : memref<512xi32, #tpu.memory_space<vmem>>) semaphore(%arg7 : memref<!tpu.dma_semaphore, #tpu.memory_space<semaphore_mem>>)
    %dma_wait3A = arith.constant 0 : i32
    %dma_wait3A_5 = arith.constant 0 : i32
    %dma_wait3A_6 = tpu.memref_slice %arg2[%dma_wait3A, %dma_wait3A_5] : memref<8192x64xf32, #tpu.memory_space<hbm>> -> memref<8192x64xf32, #tpu.memory_space<hbm>>
    tpu.wait_indirect_dma semaphore(%arg7 : memref<!tpu.dma_semaphore, #tpu.memory_space<semaphore_mem>>) src(%dma_wait3A_6 : memref<8192x64xf32, #tpu.memory_space<hbm>>) dst(%arg6 : memref<512x64xf32, #tpu.memory_space<vmem>>)
    "tpu.region"() ({
      %run_scoped3A = tpu.sem_alloc : memref<!tpu.dma_semaphore, #tpu.memory_space<semaphore_mem>>
      %dma_start3A_7 = arith.constant 0 : i32
      %dma_start3A_8 = tpu.memref_slice %arg4[%mul3A_2, %dma_start3A_7] : memref<16384x64xf32, #tpu.memory_space<hbm>> -> memref<512x64xf32, #tpu.memory_space<hbm>>
      %dma_start3A_9 = arith.constant 0 : i32
      %dma_start3A_10 = tpu.memref_slice %arg4[%mul3A_2, %dma_start3A_9] : memref<16384x64xf32, #tpu.memory_space<hbm>> -> memref<512x64xf32, #tpu.memory_space<hbm>>
      tpu.enqueue_dma source(%arg6 : memref<512x64xf32, #tpu.memory_space<vmem>>) target(%dma_start3A_10 : memref<512x64xf32, #tpu.memory_space<hbm>>) target_semaphore(%run_scoped3A : memref<!tpu.dma_semaphore, #tpu.memory_space<semaphore_mem>>)
      %dma_wait3A_11 = arith.constant 0 : i32
      %dma_wait3A_12 = tpu.memref_slice %arg4[%mul3A_2, %dma_wait3A_11] : memref<16384x64xf32, #tpu.memory_space<hbm>> -> memref<512x64xf32, #tpu.memory_space<hbm>>
      %dma_wait3A_13 = arith.constant 0 : i32
      %dma_wait3A_14 = tpu.memref_slice %arg4[%mul3A_2, %dma_wait3A_13] : memref<16384x64xf32, #tpu.memory_space<hbm>> -> memref<512x64xf32, #tpu.memory_space<hbm>>
      tpu.wait_dma2 semaphore(%run_scoped3A : memref<!tpu.dma_semaphore, #tpu.memory_space<semaphore_mem>>) src(%arg6 : memref<512x64xf32, #tpu.memory_space<vmem>>) dst(%dma_wait3A_14 : memref<512x64xf32, #tpu.memory_space<hbm>>)
      tpu.yield
    }) : () -> ()
    return
  }
}

module attributes {stable_mosaic.version = 14 : i64} {
  func.func @_argmin_body(%arg0: i32, %arg1: memref<128x64xf32, #tpu.memory_space<vmem>>, %arg2: memref<8192x64xf32, #tpu.memory_space<vmem>>, %arg3: memref<64x8192xf32, #tpu.memory_space<vmem>>, %arg4: memref<128xi32, #tpu.memory_space<vmem>>, %arg5: memref<1x1xf32, #tpu.memory_space<smem>>, %arg6: memref<8x8192xf32, #tpu.memory_space<vmem>>, %arg7: memref<1xf32, #tpu.memory_space<smem>>) attributes {dimension_semantics = [#tpu.dimension_semantics<arbitrary>], iteration_bounds = array<i64: 128>, scalar_prefetch = 0 : i64, scratch_operands = 2 : i64, tpu.core_type = #tpu.core_type<tc>, window_params = [{transform_indices = @transform_0, window_bounds = array<i64: 128, 64>}, {pipeline_mode = #tpu.pipeline_mode<synchronous>, transform_indices = @transform_1, window_bounds = array<i64: 8192, 64>}, {pipeline_mode = #tpu.pipeline_mode<synchronous>, transform_indices = @transform_2, window_bounds = array<i64: 64, 8192>}, {transform_indices = @transform_3, window_bounds = array<i64: 128>}, {transform_indices = @transform_4, window_bounds = array<i64: 1, 1>}]} {
    %eq3A = arith.constant 0 : i32
    %eq3A_0 = arith.cmpi eq, %arg0, %eq3A : i32
    %convert_element_type3A = arith.extui %eq3A_0 : i1 to i32
    %cond3A = arith.constant 0 : i32
    %cond3A_1 = arith.cmpi ne, %convert_element_type3A, %cond3A : i32
    scf.if %cond3A_1 {
      %swap3A_49 = arith.constant 0.000000e+00 : f32
      %swap3A_50 = arith.constant 0 : index
      %swap3A_51 = memref.load %arg7[%swap3A_50] : memref<1xf32, #tpu.memory_space<smem>>
      memref.store %swap3A_49, %arg7[%swap3A_50] : memref<1xf32, #tpu.memory_space<smem>>
      %scan3A_52 = arith.constant 0 : i32
      %scan3A_53 = arith.constant 8 : i32
      %scan3A_54 = arith.addi %scan3A_52, %scan3A_53 : i32
      %scan3A_55 = arith.constant 1 : i32
      scf.for %scan3A_57 = %scan3A_52 to %scan3A_54 step %scan3A_55  : i32 {
        %mul3A_58 = arith.constant 1024 : i32
        %mul3A_59 = arith.muli %scan3A_57, %mul3A_58 : i32
        %get3A_60 = arith.index_cast %mul3A_59 : i32 to index
        %get3A_61 = arith.constant 0 : index
        %get3A_62 = vector.load %arg2[%get3A_60, %get3A_61] : memref<8192x64xf32, #tpu.memory_space<vmem>>, vector<1024x64xf32>
        %mul3A_63 = arith.mulf %get3A_62, %get3A_62 : vector<1024x64xf32>
        %reduce_sum3A_64 = arith.constant dense<0.000000e+00> : vector<1024xf32>
        %reduce_sum3A_65 = vector.multi_reduction <add>, %mul3A_63, %reduce_sum3A_64 [1] : vector<1024x64xf32> to vector<1024xf32>
        %broadcast_in_dim3A_66 = vector.shape_cast %reduce_sum3A_65 : vector<1024xf32> to vector<1x1024xf32>
        %broadcast_in_dim3A_67 = vector.shape_cast %broadcast_in_dim3A_66 : vector<1x1024xf32> to vector<1x1024xf32>
        %broadcast_in_dim3A_68 = vector.broadcast %broadcast_in_dim3A_67 : vector<1x1024xf32> to vector<8x1024xf32>
        %mul3A_69 = arith.constant 1024 : i32
        %mul3A_70 = arith.muli %scan3A_57, %mul3A_69 : i32
        %swap3A_71 = arith.constant 0 : index
        %swap3A_72 = arith.index_cast %mul3A_70 : i32 to index
        %swap3A_73 = vector.load %arg6[%swap3A_71, %swap3A_72] : memref<8x8192xf32, #tpu.memory_space<vmem>>, vector<8x1024xf32>
        tpu.vector_store %arg6[%swap3A_71, %swap3A_72], %broadcast_in_dim3A_68 {strides = array<i32>} : memref<8x8192xf32, #tpu.memory_space<vmem>>, vector<8x1024xf32>,
      }
      %scan3A_56 = arith.constant 8 : i32
    } else {
    }
    %get3A = arith.constant 0 : index
    %get3A_2 = arith.constant 0 : index
    %get3A_3 = vector.load %arg1[%get3A, %get3A_2] : memref<128x64xf32, #tpu.memory_space<vmem>>, vector<128x64xf32>
    %mul3A = arith.constant -2.000000e+00 : f32
    %mul3A_4 = vector.broadcast %mul3A : f32 to vector<128x64xf32>
    %mul3A_5 = arith.mulf %mul3A_4, %get3A_3 : vector<128x64xf32>
    %mul3A_6 = arith.mulf %get3A_3, %get3A_3 : vector<128x64xf32>
    %reduce_sum3A = arith.constant dense<0.000000e+00> : vector<128xf32>
    %reduce_sum3A_7 = vector.multi_reduction <add>, %mul3A_6, %reduce_sum3A [1] : vector<128x64xf32> to vector<128xf32>
    %broadcast_in_dim3A = vector.shape_cast %reduce_sum3A_7 : vector<128xf32> to vector<128x1xf32>
    %broadcast_in_dim3A_8 = vector.shape_cast %broadcast_in_dim3A : vector<128x1xf32> to vector<128x1xf32>
    %broadcast_in_dim3A_9 = vector.broadcast %broadcast_in_dim3A_8 : vector<128x1xf32> to vector<128x128xf32>
    %reshape3A = vector.shape_cast %broadcast_in_dim3A_9 : vector<128x128xf32> to vector<16x8x128xf32>
    %broadcast_in_dim3A_10 = arith.constant 0x7F800000 : f32
    %broadcast_in_dim3A_11 = vector.broadcast %broadcast_in_dim3A_10 : f32 to vector<16x8x128xf32>
    %broadcast_in_dim3A_12 = arith.constant 0 : i32
    %broadcast_in_dim3A_13 = vector.broadcast %broadcast_in_dim3A_12 : i32 to vector<16x8x128xi32>
    %scan3A = arith.constant 0 : i32
    %scan3A_14 = arith.constant 8 : i32
    %scan3A_15 = arith.addi %scan3A, %scan3A_14 : i32
    %scan3A_16 = arith.constant 1 : i32
    %scan3A_17:2 = scf.for %scan3A_49 = %scan3A to %scan3A_15 step %scan3A_16 iter_args(%scan3A_50 = %broadcast_in_dim3A_11, %scan3A_51 = %broadcast_in_dim3A_13) -> (vector<16x8x128xf32>, vector<16x8x128xi32>)  : i32 {
      %mul3A_52 = arith.constant 1024 : i32
      %mul3A_53 = arith.muli %scan3A_49, %mul3A_52 : i32
      %get3A_54 = arith.constant 0 : index
      %get3A_55 = arith.index_cast %mul3A_53 : i32 to index
      %get3A_56 = vector.load %arg3[%get3A_54, %get3A_55] : memref<64x8192xf32, #tpu.memory_space<vmem>>, vector<64x1024xf32>
      %dot_general3A = arith.constant dense<0.000000e+00> : vector<128x1024xf32>
      %dot_general3A_57 = tpu.matmul %mul3A_5, %get3A_56, %dot_general3A {dimension_numbers = #tpu.dot_dimension_numbers<[1], [0], [0], [1], [0, 0, 1, 1], [], []>, transpose_lhs_hint = false} : vector<128x64xf32>, vector<64x1024xf32>, vector<128x1024xf32> -> vector<128x1024xf32>
      %reshape3A_58 = vector.shape_cast %dot_general3A_57 : vector<128x1024xf32> to vector<16x8x1024xf32>
      %mul3A_59 = arith.constant 1024 : i32
      %mul3A_60 = arith.muli %scan3A_49, %mul3A_59 : i32
      %get3A_61 = arith.constant 0 : index
      %get3A_62 = arith.index_cast %mul3A_60 : i32 to index
      %get3A_63 = vector.load %arg6[%get3A_61, %get3A_62] : memref<8x8192xf32, #tpu.memory_space<vmem>>, vector<8x1024xf32>
      %slice3A = vector.extract_strided_slice %get3A_63 {offsets = [0, 0], sizes = [8, 128], strides = [1, 1]} : vector<8x1024xf32> to vector<8x128xf32>
      %broadcast_in_dim3A_64 = vector.shape_cast %slice3A : vector<8x128xf32> to vector<1x8x128xf32>
      %slice3A_65 = vector.extract_strided_slice %reshape3A_58 {offsets = [0, 0, 0], sizes = [16, 8, 128], strides = [1, 1, 1]} : vector<16x8x1024xf32> to vector<16x8x128xf32>
      %add3A_66 = arith.addf %reshape3A, %slice3A_65 : vector<16x8x128xf32>
      %add3A_67 = vector.broadcast %broadcast_in_dim3A_64 : vector<1x8x128xf32> to vector<16x8x128xf32>
      %add3A_68 = arith.addf %add3A_66, %add3A_67 : vector<16x8x128xf32>
      %lt3A = arith.cmpf olt, %add3A_68, %scan3A_50 : vector<16x8x128xf32>
      %min3A = arith.minimumf %scan3A_50, %add3A_68 : vector<16x8x128xf32>
      %mul3A_69 = arith.constant 8 : i32
      %mul3A_70 = arith.muli %scan3A_49, %mul3A_69 : i32
      %add3A_71 = arith.constant 0 : i32
      %add3A_72 = arith.addi %mul3A_70, %add3A_71 : i32
      %broadcast_in_dim3A_73 = vector.broadcast %add3A_72 : i32 to vector<16x8x128xi32>
      %select_n3A_74 = arith.select %lt3A, %broadcast_in_dim3A_73, %scan3A_51 : vector<16x8x128xi1>, vector<16x8x128xi32>
      %slice3A_75 = vector.extract_strided_slice %get3A_63 {offsets = [0, 128], sizes = [8, 128], strides = [1, 1]} : vector<8x1024xf32> to vector<8x128xf32>
      %broadcast_in_dim3A_76 = vector.shape_cast %slice3A_75 : vector<8x128xf32> to vector<1x8x128xf32>
      %slice3A_77 = vector.extract_strided_slice %reshape3A_58 {offsets = [0, 0, 128], sizes = [16, 8, 128], strides = [1, 1, 1]} : vector<16x8x1024xf32> to vector<16x8x128xf32>
      %add3A_78 = arith.addf %reshape3A, %slice3A_77 : vector<16x8x128xf32>
      %add3A_79 = vector.broadcast %broadcast_in_dim3A_76 : vector<1x8x128xf32> to vector<16x8x128xf32>
      %add3A_80 = arith.addf %add3A_78, %add3A_79 : vector<16x8x128xf32>
      %lt3A_81 = arith.cmpf olt, %add3A_80, %min3A : vector<16x8x128xf32>
      %min3A_82 = arith.minimumf %min3A, %add3A_80 : vector<16x8x128xf32>
      %mul3A_83 = arith.constant 8 : i32
      %mul3A_84 = arith.muli %scan3A_49, %mul3A_83 : i32
      %add3A_85 = arith.constant 1 : i32
      %add3A_86 = arith.addi %mul3A_84, %add3A_85 : i32
      %broadcast_in_dim3A_87 = vector.broadcast %add3A_86 : i32 to vector<16x8x128xi32>
      %select_n3A_88 = arith.select %lt3A_81, %broadcast_in_dim3A_87, %select_n3A_74 : vector<16x8x128xi1>, vector<16x8x128xi32>
      %slice3A_89 = vector.extract_strided_slice %get3A_63 {offsets = [0, 256], sizes = [8, 128], strides = [1, 1]} : vector<8x1024xf32> to vector<8x128xf32>
      %broadcast_in_dim3A_90 = vector.shape_cast %slice3A_89 : vector<8x128xf32> to vector<1x8x128xf32>
      %slice3A_91 = vector.extract_strided_slice %reshape3A_58 {offsets = [0, 0, 256], sizes = [16, 8, 128], strides = [1, 1, 1]} : vector<16x8x1024xf32> to vector<16x8x128xf32>
      %add3A_92 = arith.addf %reshape3A, %slice3A_91 : vector<16x8x128xf32>
      %add3A_93 = vector.broadcast %broadcast_in_dim3A_90 : vector<1x8x128xf32> to vector<16x8x128xf32>
      %add3A_94 = arith.addf %add3A_92, %add3A_93 : vector<16x8x128xf32>
      %lt3A_95 = arith.cmpf olt, %add3A_94, %min3A_82 : vector<16x8x128xf32>
      %min3A_96 = arith.minimumf %min3A_82, %add3A_94 : vector<16x8x128xf32>
      %mul3A_97 = arith.constant 8 : i32
      %mul3A_98 = arith.muli %scan3A_49, %mul3A_97 : i32
      %add3A_99 = arith.constant 2 : i32
      %add3A_100 = arith.addi %mul3A_98, %add3A_99 : i32
      %broadcast_in_dim3A_101 = vector.broadcast %add3A_100 : i32 to vector<16x8x128xi32>
      %select_n3A_102 = arith.select %lt3A_95, %broadcast_in_dim3A_101, %select_n3A_88 : vector<16x8x128xi1>, vector<16x8x128xi32>
      %slice3A_103 = vector.extract_strided_slice %get3A_63 {offsets = [0, 384], sizes = [8, 128], strides = [1, 1]} : vector<8x1024xf32> to vector<8x128xf32>
      %broadcast_in_dim3A_104 = vector.shape_cast %slice3A_103 : vector<8x128xf32> to vector<1x8x128xf32>
      %slice3A_105 = vector.extract_strided_slice %reshape3A_58 {offsets = [0, 0, 384], sizes = [16, 8, 128], strides = [1, 1, 1]} : vector<16x8x1024xf32> to vector<16x8x128xf32>
      %add3A_106 = arith.addf %reshape3A, %slice3A_105 : vector<16x8x128xf32>
      %add3A_107 = vector.broadcast %broadcast_in_dim3A_104 : vector<1x8x128xf32> to vector<16x8x128xf32>
      %add3A_108 = arith.addf %add3A_106, %add3A_107 : vector<16x8x128xf32>
      %lt3A_109 = arith.cmpf olt, %add3A_108, %min3A_96 : vector<16x8x128xf32>
      %min3A_110 = arith.minimumf %min3A_96, %add3A_108 : vector<16x8x128xf32>
      %mul3A_111 = arith.constant 8 : i32
      %mul3A_112 = arith.muli %scan3A_49, %mul3A_111 : i32
      %add3A_113 = arith.constant 3 : i32
      %add3A_114 = arith.addi %mul3A_112, %add3A_113 : i32
      %broadcast_in_dim3A_115 = vector.broadcast %add3A_114 : i32 to vector<16x8x128xi32>
      %select_n3A_116 = arith.select %lt3A_109, %broadcast_in_dim3A_115, %select_n3A_102 : vector<16x8x128xi1>, vector<16x8x128xi32>
      %slice3A_117 = vector.extract_strided_slice %get3A_63 {offsets = [0, 512], sizes = [8, 128], strides = [1, 1]} : vector<8x1024xf32> to vector<8x128xf32>
      %broadcast_in_dim3A_118 = vector.shape_cast %slice3A_117 : vector<8x128xf32> to vector<1x8x128xf32>
      %slice3A_119 = vector.extract_strided_slice %reshape3A_58 {offsets = [0, 0, 512], sizes = [16, 8, 128], strides = [1, 1, 1]} : vector<16x8x1024xf32> to vector<16x8x128xf32>
      %add3A_120 = arith.addf %reshape3A, %slice3A_119 : vector<16x8x128xf32>
      %add3A_121 = vector.broadcast %broadcast_in_dim3A_118 : vector<1x8x128xf32> to vector<16x8x128xf32>
      %add3A_122 = arith.addf %add3A_120, %add3A_121 : vector<16x8x128xf32>
      %lt3A_123 = arith.cmpf olt, %add3A_122, %min3A_110 : vector<16x8x128xf32>
      %min3A_124 = arith.minimumf %min3A_110, %add3A_122 : vector<16x8x128xf32>
      %mul3A_125 = arith.constant 8 : i32
      %mul3A_126 = arith.muli %scan3A_49, %mul3A_125 : i32
      %add3A_127 = arith.constant 4 : i32
      %add3A_128 = arith.addi %mul3A_126, %add3A_127 : i32
      %broadcast_in_dim3A_129 = vector.broadcast %add3A_128 : i32 to vector<16x8x128xi32>
      %select_n3A_130 = arith.select %lt3A_123, %broadcast_in_dim3A_129, %select_n3A_116 : vector<16x8x128xi1>, vector<16x8x128xi32>
      %slice3A_131 = vector.extract_strided_slice %get3A_63 {offsets = [0, 640], sizes = [8, 128], strides = [1, 1]} : vector<8x1024xf32> to vector<8x128xf32>
      %broadcast_in_dim3A_132 = vector.shape_cast %slice3A_131 : vector<8x128xf32> to vector<1x8x128xf32>
      %slice3A_133 = vector.extract_strided_slice %reshape3A_58 {offsets = [0, 0, 640], sizes = [16, 8, 128], strides = [1, 1, 1]} : vector<16x8x1024xf32> to vector<16x8x128xf32>
      %add3A_134 = arith.addf %reshape3A, %slice3A_133 : vector<16x8x128xf32>
      %add3A_135 = vector.broadcast %broadcast_in_dim3A_132 : vector<1x8x128xf32> to vector<16x8x128xf32>
      %add3A_136 = arith.addf %add3A_134, %add3A_135 : vector<16x8x128xf32>
      %lt3A_137 = arith.cmpf olt, %add3A_136, %min3A_124 : vector<16x8x128xf32>
      %min3A_138 = arith.minimumf %min3A_124, %add3A_136 : vector<16x8x128xf32>
      %mul3A_139 = arith.constant 8 : i32
      %mul3A_140 = arith.muli %scan3A_49, %mul3A_139 : i32
      %add3A_141 = arith.constant 5 : i32
      %add3A_142 = arith.addi %mul3A_140, %add3A_141 : i32
      %broadcast_in_dim3A_143 = vector.broadcast %add3A_142 : i32 to vector<16x8x128xi32>
      %select_n3A_144 = arith.select %lt3A_137, %broadcast_in_dim3A_143, %select_n3A_130 : vector<16x8x128xi1>, vector<16x8x128xi32>
      %slice3A_145 = vector.extract_strided_slice %get3A_63 {offsets = [0, 768], sizes = [8, 128], strides = [1, 1]} : vector<8x1024xf32> to vector<8x128xf32>
      %broadcast_in_dim3A_146 = vector.shape_cast %slice3A_145 : vector<8x128xf32> to vector<1x8x128xf32>
      %slice3A_147 = vector.extract_strided_slice %reshape3A_58 {offsets = [0, 0, 768], sizes = [16, 8, 128], strides = [1, 1, 1]} : vector<16x8x1024xf32> to vector<16x8x128xf32>
      %add3A_148 = arith.addf %reshape3A, %slice3A_147 : vector<16x8x128xf32>
      %add3A_149 = vector.broadcast %broadcast_in_dim3A_146 : vector<1x8x128xf32> to vector<16x8x128xf32>
      %add3A_150 = arith.addf %add3A_148, %add3A_149 : vector<16x8x128xf32>
      %lt3A_151 = arith.cmpf olt, %add3A_150, %min3A_138 : vector<16x8x128xf32>
      %min3A_152 = arith.minimumf %min3A_138, %add3A_150 : vector<16x8x128xf32>
      %mul3A_153 = arith.constant 8 : i32
      %mul3A_154 = arith.muli %scan3A_49, %mul3A_153 : i32
      %add3A_155 = arith.constant 6 : i32
      %add3A_156 = arith.addi %mul3A_154, %add3A_155 : i32
      %broadcast_in_dim3A_157 = vector.broadcast %add3A_156 : i32 to vector<16x8x128xi32>
      %select_n3A_158 = arith.select %lt3A_151, %broadcast_in_dim3A_157, %select_n3A_144 : vector<16x8x128xi1>, vector<16x8x128xi32>
      %slice3A_159 = vector.extract_strided_slice %get3A_63 {offsets = [0, 896], sizes = [8, 128], strides = [1, 1]} : vector<8x1024xf32> to vector<8x128xf32>
      %broadcast_in_dim3A_160 = vector.shape_cast %slice3A_159 : vector<8x128xf32> to vector<1x8x128xf32>
      %slice3A_161 = vector.extract_strided_slice %reshape3A_58 {offsets = [0, 0, 896], sizes = [16, 8, 128], strides = [1, 1, 1]} : vector<16x8x1024xf32> to vector<16x8x128xf32>
      %add3A_162 = arith.addf %reshape3A, %slice3A_161 : vector<16x8x128xf32>
      %add3A_163 = vector.broadcast %broadcast_in_dim3A_160 : vector<1x8x128xf32> to vector<16x8x128xf32>
      %add3A_164 = arith.addf %add3A_162, %add3A_163 : vector<16x8x128xf32>
      %lt3A_165 = arith.cmpf olt, %add3A_164, %min3A_152 : vector<16x8x128xf32>
      %min3A_166 = arith.minimumf %min3A_152, %add3A_164 : vector<16x8x128xf32>
      %mul3A_167 = arith.constant 8 : i32
      %mul3A_168 = arith.muli %scan3A_49, %mul3A_167 : i32
      %add3A_169 = arith.constant 7 : i32
      %add3A_170 = arith.addi %mul3A_168, %add3A_169 : i32
      %broadcast_in_dim3A_171 = vector.broadcast %add3A_170 : i32 to vector<16x8x128xi32>
      %select_n3A_172 = arith.select %lt3A_165, %broadcast_in_dim3A_171, %select_n3A_158 : vector<16x8x128xi1>, vector<16x8x128xi32>
      scf.yield %min3A_166, %select_n3A_172 : vector<16x8x128xf32>, vector<16x8x128xi32>
    }
    %scan3A_18 = arith.constant 8 : i32
    %reshape3A_19 = vector.shape_cast %scan3A_17#0 : vector<16x8x128xf32> to vector<128x128xf32>
    %reshape3A_20 = vector.shape_cast %scan3A_17#1 : vector<16x8x128xi32> to vector<128x128xi32>
    %reduce_min3A = arith.constant dense<0x7F800000> : vector<128xf32>
    %reduce_min3A_21 = vector.multi_reduction <minimumf>, %reshape3A_19, %reduce_min3A [1] : vector<128x128xf32> to vector<128xf32>
    %broadcast_in_dim3A_22 = vector.shape_cast %reduce_min3A_21 : vector<128xf32> to vector<128x1xf32>
    %mul3A_23 = arith.constant 128 : i32
    %mul3A_24 = vector.broadcast %mul3A_23 : i32 to vector<128x128xi32>
    %mul3A_25 = arith.muli %reshape3A_20, %mul3A_24 : vector<128x128xi32>
    %iota3A = tpu.iota {dimensions = array<i32: 1>} : vector<128x128xi32>
    %add3A = arith.addi %mul3A_25, %iota3A : vector<128x128xi32>
    %convert_element_type3A_26 = arith.sitofp %add3A : vector<128x128xi32> to vector<128x128xf32>
    %eq3A_27 = vector.broadcast %broadcast_in_dim3A_22 : vector<128x1xf32> to vector<128x128xf32>
    %eq3A_28 = arith.cmpf oeq, %reshape3A_19, %eq3A_27 : vector<128x128xf32>
    %jit3A = arith.constant 8.192000e+03 : f32
    %broadcast_in_dim3A_29 = vector.broadcast %jit3A : f32 to vector<128x128xf32>
    %select_n3A = arith.select %eq3A_28, %convert_element_type3A_26, %broadcast_in_dim3A_29 : vector<128x128xi1>, vector<128x128xf32>
    %reduce_min3A_30 = arith.constant dense<0x7F800000> : vector<128xf32>
    %reduce_min3A_31 = vector.multi_reduction <minimumf>, %select_n3A, %reduce_min3A_30 [1] : vector<128x128xf32> to vector<128xf32>
    %convert_element_type3A_32 = arith.fptosi %reduce_min3A_31 : vector<128xf32> to vector<128xi32>
    %swap3A = arith.constant 0 : index
    %swap3A_33 = vector.load %arg4[%swap3A] : memref<128xi32, #tpu.memory_space<vmem>>, vector<128xi32>
    tpu.vector_store %arg4[%swap3A], %convert_element_type3A_32 {strides = array<i32>} : memref<128xi32, #tpu.memory_space<vmem>>, vector<128xi32>,
    %get3A_34 = arith.constant 0 : index
    %get3A_35 = memref.load %arg7[%get3A_34] : memref<1xf32, #tpu.memory_space<smem>>
    %reduce_sum3A_36 = vector.shape_cast %broadcast_in_dim3A_22 : vector<128x1xf32> to vector<1x128x1xf32>
    %reduce_sum3A_37 = arith.constant dense<0.000000e+00> : vector<1xf32>
    %reduce_sum3A_38 = vector.multi_reduction <add>, %reduce_sum3A_36, %reduce_sum3A_37 [1, 2] : vector<1x128x1xf32> to vector<1xf32>
    %reduce_sum3A_39 = vector.shape_cast %reduce_sum3A_38 : vector<1xf32> to vector<1x1x1xf32>
    %reduce_sum3A_40 = vector.extract %reduce_sum3A_39[0, 0, 0] : f32 from vector<1x1x1xf32>
    %add3A_41 = arith.addf %get3A_35, %reduce_sum3A_40 : f32
    %swap3A_42 = arith.constant 0 : index
    %swap3A_43 = memref.load %arg7[%swap3A_42] : memref<1xf32, #tpu.memory_space<smem>>
    memref.store %add3A_41, %arg7[%swap3A_42] : memref<1xf32, #tpu.memory_space<smem>>
    %eq3A_44 = arith.constant 127 : i32
    %eq3A_45 = arith.cmpi eq, %arg0, %eq3A_44 : i32
    %convert_element_type3A_46 = arith.extui %eq3A_45 : i1 to i32
    %cond3A_47 = arith.constant 0 : i32
    %cond3A_48 = arith.cmpi ne, %convert_element_type3A_46, %cond3A_47 : i32
    scf.if %cond3A_48 {
      %get3A_49 = arith.constant 0 : index
      %get3A_50 = memref.load %arg7[%get3A_49] : memref<1xf32, #tpu.memory_space<smem>>
      %swap3A_51 = arith.constant 0 : index
      %swap3A_52 = arith.constant 0 : index
      %swap3A_53 = memref.load %arg5[%swap3A_51, %swap3A_52] : memref<1x1xf32, #tpu.memory_space<smem>>
      memref.store %get3A_50, %arg5[%swap3A_51, %swap3A_52] : memref<1x1xf32, #tpu.memory_space<smem>>
    } else {
    }
    return
  }
  func.func @transform_0(%arg0: i32) -> (i32, i32) {
    %c0_i32 = arith.constant 0 : i32
    %c0_i32_0 = arith.constant 0 : i32
    return %arg0, %c0_i32 : i32, i32
  }
  func.func @transform_1(%arg0: i32) -> (i32, i32) {
    %c0_i32 = arith.constant 0 : i32
    %c0_i32_0 = arith.constant 0 : i32
    %c0_i32_1 = arith.constant 0 : i32
    return %c0_i32, %c0_i32_0 : i32, i32
  }
  func.func @transform_2(%arg0: i32) -> (i32, i32) {
    %c0_i32 = arith.constant 0 : i32
    %c0_i32_0 = arith.constant 0 : i32
    %c0_i32_1 = arith.constant 0 : i32
    return %c0_i32, %c0_i32_0 : i32, i32
  }
  func.func @transform_3(%arg0: i32) -> i32 {
    %c0_i32 = arith.constant 0 : i32
    return %arg0 : i32
  }
  func.func @transform_4(%arg0: i32) -> (i32, i32) {
    %c0_i32 = arith.constant 0 : i32
    %c0_i32_0 = arith.constant 0 : i32
    %c0_i32_1 = arith.constant 0 : i32
    return %c0_i32, %c0_i32_0 : i32, i32
  }
}

</mosaic_0001>

<sc_bundles>
// kernel: kernel.4.cloned.1.call-start
scs
__scs_entry_jumppad:
0x0: {  	(pc) =	sbr.rel $0x88, $3  }
0x1: {  	(tag) =	ssettag $0x0;
	lr =	simm.s32 $0x1  }
0x2: {  	[smem:$0x3F9F] =	sst lr;
	_ =	strace $0xD0000000  }
0x3: {  	_ = 	snop  }
0x4: {  	_ = 	snop  }
0x5: {  	_ = 	snop  }
0x6: {  	_ = 	snop  }
0x7: {  	_ = 	snop  }
__scs_overlays_trampoline_lowered:
0x8: {  	[smem:$0x3FAE] =	sst s0  }
0x9: {  	[smem:$0x3FAF] =	sst s1  }
0xa: {  	[smem:$0x3FB0] =	sst s2  }
0xb: {  	[smem:$0x3FB1] =	sst s3  }
0xc: {  	[smem:$0x3FB2] =	sst s4  }
0xd: {  	[smem:$0x3FB3] =	sst s5  }
0xe: {  	[smem:$0x3FB4] =	sst s6  }
0xf: {  	[smem:$0x3FB5] =	sst s7  }
0x10: {  	[smem:$0x3FB6] =	sst s8  }
0x11: {  	[smem:$0x3FB7] =	sst s9;
	s0 =	simm.s32 @!p0 $0x0  }
0x12: {  	s1 =	sld [smem:$0x3F9D];
	s0 =	simm.s32 @p0 $0x1  }
0x13: {  	[smem:$0x3FB8] =	sst s0;
	s0 =	simm.s32 @!p1 $0x0  }
0x14: {  	s2 =	sld [smem:$0x3F9C];
	s0 =	simm.s32 @p1 $0x1  }
0x15: {  	[smem:$0x3FB9] =	sst s0;
	s0 =	simm.s32 @!p2 $0x0  }
0x16: {  	s3 =	sld [smem:$0x3FDB];
	s0 =	simm.s32 @p2 $0x1  }
0x17: {  	s4 =	simm.s32 $0x1BF5;
	[smem:$0x3FBB] =	sst s0  }
0x18: {  	s0 =	sld [smem:$0x3F9E];
	_ =	swait.ge [sflag:s4], $0x0  }
0x19: {  	s7 =	sld [smem:$0x3F9F]  }
0x1a: {  	s8 =	sadd.s32 $0xFFFFE003, lr  }
0x1b: {  	s9 =	sadd.s32 $0xFFFFFEF7, lr;
	s5 =	simm.s32 $0xFFFFFFFF;
	p2 =	slt.u32 s8, $0xFFFFF086  }
0x1c: {  	p1 =	slt.u32 s9, $0xF7A;
	s5 =	simm.s32 @!p2 $0x0  }
0x1d: {  	s5 =	simm.s32 @p1 $0x1;
	p0 =	seq.s32 s7, s2  }
0x1e: {  	s7 =	smul.u32 @!p0 $0xF7A, s2;
	p2 =	seq.s32 @!p0 s5, $0x0  }
0x1f: {  	s9 =	smul.u32 $0xF7A, s1;
	s8 =	simm.s32 @!p0 $0x1BF5;
	p2 =	por !p2, p0  }
0x20: {  	[sflag:s8] =	ssyncset.s32 @!p0 $0xFFFFF086;
	s6 =	sadd.s32 @!p0 s3, s7;
	s7 =	simm.s32 @!p0 $0x108  }
0x21: {  	s3 =	sadd.s32 s3, s9;
	s6 =	sadd.s32 @!p0 $0x88, s6;
	s7 =	simm.s32 @p2 $0x1082  }
0x22: {  	[simem:s7], [sflag:s8] =	dma.local @!p0 [hbm:s6], $0xF7A  }
0x23: {  	s9 =	sor.u32 $0xD0000000, s2;
	s6 =	simm.s32 $0x108;
	_ =	swait.ge @!p0 [sflag:s8], $0x0  }
0x24: {  	s3 =	sadd.s32 $0x88, s3;
	s6 =	simm.s32 @!p1 $0x1082;
	[sflag:s4] =	ssyncset.s32 $0xFFFFF086  }
0x25: {  	[simem:s6], [sflag:s4] =	dma.local [hbm:s3], $0xF7A  }
0x26: {  	[smem:$0x3F9F] =	sst s1;
	(tag) =	ssettag s2;
	_ =	strace s9  }
0x27: {  	s1 =	sld [smem:$0x3FAF]  }
0x28: {  	s2 =	sld [smem:$0x3FB0]  }
0x29: {  	s4 =	sld [smem:$0x3FB2]  }
0x2a: {  	p0 =	seq.s32 s5, $0x0;
	s5 =	sld [smem:$0x3FB3]  }
0x2b: {  	s6 =	sld [smem:$0x3FB4]  }
0x2c: {  	s7 =	sld [smem:$0x3FB5]  }
0x2d: {  	s3 =	simm.s32 $0x108;
	s8 =	sld [smem:$0x3FB6]  }
0x2e: {  	s3 =	simm.s32 @!p0 $0x1082;
	s9 =	sld [smem:$0x3FB7]  }
0x2f: {  	lr =	sadd.s32 s0, s3;
	s0 =	sld [smem:$0x3FAE]  }
0x30: {  	s3 =	sld [smem:$0x3FB1]  }
0x31: {  	[smem:$0x3FBA] =	sst s10  }
0x32: {  	s10 =	sld [smem:$0x3FB8];
	_ =	sdelay $0x3  }
0x33: {  	p0 =	seq.s32 s10, $0x1;
	s10 =	sld [smem:$0x3FBA];
	_ =	sdelay $0x3  }
0x34: {  	[smem:$0x3FBA] =	sst s10  }
0x35: {  	s10 =	sld [smem:$0x3FB9];
	_ =	sdelay $0x3  }
0x36: {  	p1 =	seq.s32 s10, $0x1;
	s10 =	sld [smem:$0x3FBA];
	_ =	sdelay $0x3  }
0x37: {  	[smem:$0x3FBA] =	sst s10  }
0x38: {  	s10 =	sld [smem:$0x3FBB]  }
0x39: {  	_ = 	snop;
	(pc) =	sbr.ind lr, $3  }
0x3a: {  	_ = 	snop  }
0x3b: {  	_ = 	snop  }
0x3c: {  	p2 =	seq.s32 s10, $0x1;
	s10 =	sld [smem:$0x3FBA]  }
0x3d: {  	_ =	shalt  }
0x3e: {  	_ =	shalt  }
0x3f: {  	_ =	shalt  }
0x40: {  	_ =	shalt  }
0x41: {  	_ =	shalt  }
0x42: {  	_ =	shalt  }
0x43: {  	_ =	shalt  }
0x44: {  	_ =	shalt  }
0x45: {  	_ =	shalt  }
0x46: {  	_ =	shalt  }
0x47: {  	_ =	shalt  }
0x48: {  	_ =	shalt  }
0x49: {  	_ =	shalt  }
0x4a: {  	_ =	shalt  }
0x4b: {  	_ =	shalt  }
0x4c: {  	_ =	shalt  }
0x4d: {  	_ =	shalt  }
0x4e: {  	_ =	shalt  }
0x4f: {  	_ =	shalt  }
0x50: {  	_ =	shalt  }
0x51: {  	_ =	shalt  }
0x52: {  	_ =	shalt  }
0x53: {  	_ =	shalt  }
0x54: {  	_ =	shalt  }
0x55: {  	_ =	shalt  }
0x56: {  	_ =	shalt  }
0x57: {  	_ =	shalt  }
0x58: {  	_ =	shalt  }
0x59: {  	_ =	shalt  }
0x5a: {  	_ =	shalt  }
0x5b: {  	_ =	shalt  }
0x5c: {  	_ =	shalt  }
0x5d: {  	_ =	shalt  }
0x5e: {  	_ =	shalt  }
0x5f: {  	_ =	shalt  }
0x60: {  	_ =	shalt  }
0x61: {  	_ =	shalt  }
0x62: {  	_ =	shalt  }
0x63: {  	_ =	shalt  }
0x64: {  	_ =	shalt  }
0x65: {  	_ =	shalt  }
0x66: {  	_ =	shalt  }
0x67: {  	_ =	shalt  }
0x68: {  	_ =	shalt  }
0x69: {  	_ =	shalt  }
0x6a: {  	_ =	shalt  }
0x6b: {  	_ =	shalt  }
0x6c: {  	_ =	shalt  }
0x6d: {  	_ =	shalt  }
0x6e: {  	_ =	shalt  }
0x6f: {  	_ =	shalt  }
0x70: {  	_ =	shalt  }
0x71: {  	_ =	shalt  }
0x72: {  	_ =	shalt  }
0x73: {  	_ =	shalt  }
0x74: {  	_ =	shalt  }
0x75: {  	_ =	shalt  }
0x76: {  	_ =	shalt  }
0x77: {  	_ =	shalt  }
0x78: {  	_ =	shalt  }
0x79: {  	_ =	shalt  }
0x7a: {  	_ =	shalt  }
0x7b: {  	_ =	shalt  }
0x7c: {  	_ =	shalt  }
0x7d: {  	_ =	shalt  }
0x7e: {  	_ =	shalt  }
0x7f: {  	_ =	shalt  }
0x80: {  	_ =	shalt  }
0x81: {  	_ =	shalt  }
0x82: {  	_ =	shalt  }
0x83: {  	_ =	shalt  }
0x84: {  	_ =	shalt  }
0x85: {  	_ =	shalt  }
0x86: {  	_ =	shalt  }
0x87: {  	_ =	shalt  }
.Lfunc_end0:
.L_simem_size_0:
called_computation_lowered:
.L_overlay_start_0:
0x88: {  	s2 =	sld [smem:$0x3FD9]  }
0x89: {  	s3 =	sld [smem:$0x3FFE];
	_ =	sdelay $0x1  }
0x8a: {  	s1 =	srdreg.scid  }
0x8b: {  	s0 =	sand.u32 $0x1, s1  }
0x8c: {  	s14 =	sshll.u32 s0, $0xA;
	s2 =	sadd.s32 s3, s2  }
0x8d: {  	s2 =	sadd.s32 s2, s14  }
0x8e: {  	[smem:$0x3FC6] =	sst s2  }
0x8f: {  	_ = 	snop  }
0x90: {  	s2 =	sld [smem:$0x3FD0];
	_ =	sdelay $0x2  }
0x91: {  	s15 =	simm.s32 $0xA;
	s4 =	simm.s32 $0x10  }
0x92: {  	[smem:s4], [sflag:s15] =	dma.local [hbm:s2], $0x1  }
0x93: {  	_ =	swait.eq [sflag:s15], $0x1  }
0x94: {  	[sflag:s15] =	ssyncset.done $0x0  }
0x95: {  	[sflag:s15] =	ssyncadd.s32 $0xFFFFFFFF  }
0x96: {  	s16 =	sld [smem:$0x10];
	(tm) =	ssettm $0x1  }
0x97: {  	s17 =	sld [smem:$0x3FFB];
	_ =	sdelay $0x3  }
0x98: {  	_ =	strace s17  }
0x99: {  	s3 =	sld [smem:$0x3FFC];
	_ =	sdelay $0x3  }
0x9a: {  	_ =	strace s3  }
0x9b: {  	s3 =	sld [smem:$0x3FFD];
	_ =	sdelay $0x3  }
0x9c: {  	_ =	strace s3  }
0x9d: {  	_ =	strace $0x8FFFFFFF  }
0x9e: {  	s18 =	sld [smem:$0x3FDB];
	_ =	sdelay $0x1  }
0x9f: {  	s19 =	simm.s32 $_scs_section_size  }
0xa0: {  	s5 =	simm.s32 $_size__tile_overlayer_lowered;
	s6 =	simm.s32 $_tile_overlayer_lowered  }
0xa1: {  	s22 =	simm.s32 $0x1BFF;
	s21 =	sshll.u32 s6, $0x1;
	s3 =	sadd.s32 s19, s18  }
0xa2: {  	s7 =	simm.s32 $0x0;
	s20 =	sshll.u32 s5, $0x1;
	s5 =	sadd.s32 s21, s3  }
0xa3: {  	[timem:s7], [sflag:s22] =	dma.local [hbm:s5], s20  }
0xa4: {  	_ =	swait.ge [sflag:s22], s20  }
0xa5: {  	s4 =	ssub.s32 $0x0, s20;
	[sflag:s22] =	ssyncset.done $0x0  }
0xa6: {  	[sflag:s22] =	ssyncadd.s32 s4;
	_ =	sdelay $0x1  }
0xa7: {  	s23 =	simm.s32 $0x1B8B  }
0xa8: {  	_ =	swait.ge [sflag:s23], $0x1  }
0xa9: {  	[sflag:s23] =	ssyncset.done $0x0  }
0xaa: {  	s25 =	simm.s32 $0x1B8E;
	s24 =	sld [smem:$0x3FFE];
	[sflag:s23] =	ssyncadd.s32 $0xFFFFFFFF  }
0xab: {  	s26 =	simm.s32 $execute0_lowered;
	[smem:$0x3FD2] =	sst s25  }
0xac: {  	s5 =	sshll.u32 s26, $0x1;
	_ =	strace $0x80000046;
	[dreg:$0x1] =	wrdreg $0xFFFFFFFF  }
0xad: {  	s28 =	simm.s32 $_size_execute0_lowered;
	s3 =	sadd.s32 s3, s5;
	[dreg:$0x0] =	wrdreg $0x0  }
0xae: {  	s5 =	sshll.u32 s28, $0x1;
	[dreg:$0x2] =	wrdreg s3  }
0xaf: {  	[dreg:$0x3] =	wrdreg s5  }
0xb0: {  	[dreg:$0x4] =	wrdreg $0xC0  }
0xb1: {  	_ =	task [dreg:s7], $0x5FFFF  }
0xb2: {  	[dreg:$0x1] =	wrdreg $0xFFFFFFFF  }
0xb3: {  	[dreg:$0x0] =	wrdreg $0x60  }
0xb4: {  	[dreg:$0x2] =	wrdreg s24  }
0xb5: {  	[dreg:$0x3] =	wrdreg s16  }
0xb6: {  	[dreg:$0x4] =	wrdreg $0x9  }
0xb7: {  	_ =	task.clear_ibuf [dreg:s7], $0x5FFFF;
	_ =	strace $0x90000046  }
0xb8: {  	s29 =	simm.s32 $0x9;
	_ =	strace $0x80000048  }
0xb9: {  	_ =	swait.ge [sflag:s29], $0x1  }
0xba: {  	[sflag:s29] =	ssyncadd.s32 $0xFFFFFFFF  }
0xbb: {  	_ =	strace $0x90000048  }
0xbc: {  	_ =	sfence  }
0xbd: {  	s30 =	sld [smem:$0x0];
	_ =	sdelay $0x2  }
0xbe: {  	s31 =	sshll.u32 s1, $0xD;
	s1 =	sshrl.u32 s1, $0x2  }
0xbf: {  	s3 =	sand.u32 $0x4000, s31;
	s1 =	sadd.s32 s1, s30  }
0xc0: {  	s0 =	sor.u32 s3, s0;
	s1 =	sshll.u32 s1, $0x11  }
0xc1: {  	s0 =	sor.u32 s1, s0  }
0xc2: {  	s0 =	sadd.s32 $0x8F2B, s0  }
0xc3: {  	[sflag:s0] =	ssyncadd.remote.s32 $0x1  }
0xc4: {  	_ =	sfence.sel $0xFFFF  }
0xc5: {  	[dreg:$0x0] =	wrdreg $0xFFFFFFFF;
	(pc) =	sbr.abs _section_cstart, $3  }
0xc6: {  	[dreg:$0x1] =	wrdreg $0xFFFFFFFF  }
0xc7: {  	_ =	task.clear_ibuf [dreg:s7], $0x2FFFF;
	_ =	strace $0x9FFFFFFF  }
0xc8: {  	(tm) =	ssettm $0x7FFFFFFF  }
0xc9: {  	_ =	shalt  }
tec
execute0_lowered:
.L_overlay_start_1:
0x0: {  	(tag) =	ssettag $0x1  }
0x1: {  	s1 =	srdreg.scid  }
0x2: {  	s0 =	stileid.u32;
	s6 =	sand.u32 $0x1, s1  }
0x3: {  	s5 =	rddreg [dreg:$0x0];
	s30 =	sshll.u32 s0, $0xA;
	s2 =	sshll.u32 s6, $0x9  }
0x4: {  	s8 =	rddreg [dreg:$0x1];
	s9 =	sor.u32 s2, s30  }
0x5: {  	s1 =	rddreg [dreg:$0x2];
	s2 =	simm.s32 $0x0;
	s3 =	sshrl.u32 s9, $0x3  }
0x6: {  	s10 =	ssub.s32 $0x2, s6;
	[smem:$0x7FF] =	sst s2;
	s3 =	sadd.s32 s3, s5  }
0x7: {  	_ =	strace $0x80000047;
	s4 =	sadd.s32 $0x10E00, s3;
	s3 =	simm.s32 $0x2  }
0x8: {  	[tilespmem:s2], [sflag:$0x2] =	stream.linear.gather [hbm4b:s4+s2], $0x200, $0x38;
	[tilespmem:$0x8200] =	vst v63  }
0x9: {  	s7 =	simm.s32 $0x1;
	s11 =	sshrl.u32 s10, $0x1;
	_ =	swait.ge [sflag:s3], $0x200  }
0xa: {  	s6 =	simm.s32 $0x200;
	s10 =	ssub.s32 s10, s11;
	[sflag:s3] =	ssyncset.done $0x0  }
0xb: {  	s5 =	sadd.s32 $0xE00, s5;
	s31 =	smax.u32 s10, $0x1;
	[sflag:s3] =	ssyncadd.s32 $0xFFFFFE00  }
0xc: {  	[tilespmem:s6], [sflag:$0x1] =	stream.indirect.gather [hbm4b:s5+s6], $0x40, s2, s6, $0xb8;
	[tilespmem:$0x8200] =	vst v63  }
0xd: {  	p0 =	sne.s32 s31, $0x1;
	_ =	swait.ge [sflag:s7], $0x8000  }
.Ltmp0:
0xe: {  	s9 =	sshll.u32 s9, $0x3;
	[sflag:s7] =	ssyncset.done $0x0;
	(pc) =	sbr.rel @!p0 .LBB2_2-.Ltmp0, $4  }
0xf: {  	s8 =	sadd.s32 s8, s9;
	[sflag:s7] =	ssyncadd.s32 $0xFFFF8000  }
0x10: {  	[hbm4b:s8+s2] =	stream.linear.scatter [tilespmem:s6], [sflag:$0x2], $0x8000, $0x38;
	[tilespmem:$0x8200] =	vst v63  }
0x11: {  	_ =	swait.ge [sflag:s3], $0x8000  }
0x12: {  	s9 =	sadd.s32 $0xFFFFFFFF, s31;
	[sflag:s3] =	ssyncset.done $0x0  }
.LBB2_1:
0x13: {  	p0 =	sne.s32 s9, $0x1;
	s9 =	sadd.s32 $0xFFFFFFFF, s9;
	[sflag:s3] =	ssyncadd.s32 $0xFFFF8000  }
0x14: {  	[tilespmem:s2], [sflag:$0x2] =	stream.linear.gather [hbm4b:s4+s2], $0x200, $0x38;
	[tilespmem:$0x8200] =	vst v63  }
0x15: {  	_ =	swait.ge [sflag:s3], $0x200  }
0x16: {  	[sflag:s3] =	ssyncset.done $0x0  }
0x17: {  	[sflag:s3] =	ssyncadd.s32 $0xFFFFFE00  }
0x18: {  	[tilespmem:s6], [sflag:$0x1] =	stream.indirect.gather [hbm4b:s5+s6], $0x40, s2, s6, $0xb8;
	[tilespmem:$0x8200] =	vst v63  }
0x19: {  	_ =	swait.ge [sflag:s7], $0x8000  }
.Ltmp1:
0x1a: {  	[sflag:s7] =	ssyncset.done $0x0;
	(pc) =	sbr.rel @p0 .LBB2_1-.Ltmp1, $4  }
0x1b: {  	[sflag:s7] =	ssyncadd.s32 $0xFFFF8000  }
0x1c: {  	[hbm4b:s8+s2] =	stream.linear.scatter [tilespmem:s6], [sflag:$0x2], $0x8000, $0x38;
	[tilespmem:$0x8200] =	vst v63  }
0x1d: {  	_ =	swait.ge [sflag:s3], $0x8000  }
0x1e: {  	[sflag:s3] =	ssyncset.done $0x0  }
.LBB2_2:
0x1f: {  	[sflag:s3] =	ssyncadd.s32 $0xFFFF8000  }
0x20: {  	_ =	sfence.sel $0x180000  }
0x21: {  	[bflag:$0x0] =	sbarrier.arrive $0xFFFF  }
0x22: {  	p0 =	sne.s32 s0, $0x0;
	_ =	strace $0x90000047  }
0x23: {  	s0 =	sadd.s32 @!p0 $0x100000, s1;
	[bflag:$0x2] =	sbarrier.arrive $0xFFFF  }
0x24: {  	[sflag:s0] =	ssyncadd.tile.s32 @!p0 $0x1;
	_ =	shalt  }
.Lfunc_end2:
_tile_overlayer_lowered:
.L_overlay_start_2:
0x25: {  	(tag) =	ssettag $0x2  }
0x26: {  	s0 =	rddreg [dreg:$0x0];
	s2 =	stileid.u32  }
0x27: {  	s1 =	rddreg [dreg:$0x1];
	p0 =	sne.s32 s2, $0x0  }
0x28: {  	s3 =	rddreg [dreg:$0x2];
	[bflag:$0x3] =	sbarrier.arrive $0xFFFF;
	s2 =	simm.s32 @!p0 $0x1C02  }
0x29: {  	[timem:s3], [sflag:s2] =	dma.local @!p0 [hbm:s0], s1  }
0x2a: {  	s0 =	simm.s32 @!p0 $0x2  }
0x2b: {  	_ =	swait.ge @!p0 [sflag:s0], s1  }
0x2c: {  	s1 =	ssub.s32 @!p0 $0x0, s1;
	[sflag:s0] =	ssyncset.done @!p0 $0x0  }
0x2d: {  	[sflag:s0] =	ssyncadd.s32 @!p0 s1  }
0x2e: {  	[bflag:$0x3] =	sbarrier.arrive $0xFFFF  }
0x2f: {  	_ =	shalt  }

</sc_bundles>
